<compile_context>
chip_gen: v7x
topology: tpu7x:2x2x1
jax: 0.10.2.dev20260603
libtpu: 0.0.44.dev20260713+nightly
codegen_flags: <defaults>
</compile_context>

<pallas_src>
import functools

import jax
import jax.numpy as jnp
from jax import lax
from jax.experimental import pallas as pl
from jax.experimental.pallas import tpu as pltpu
from jax.experimental.pallas import tpu_sc as plsc

N = 10000
D = 128
H = 128
E = 320000

NC, NS, L = 2, 16, 16
DH = D // 2
CL = 8
CB = 128
NCHUNK = 160
EPT = NCHUNK * CB
E_PAD = NS * EPT
ROWS_PT = 640
N_PAD = NS * ROWS_PT


def _sc_segment_sum(src2, dst2, xb2, zeros_big, zeros_small, ones_small):
    mesh = plsc.VectorSubcoreMesh(core_axis_name="c", subcore_axis_name="s")

    @functools.partial(
        pl.kernel,
        out_type=(
            jax.ShapeDtypeStruct((NC * N_PAD, DH), jnp.bfloat16),
            jax.ShapeDtypeStruct((NC * N_PAD, CL), jnp.float32),
        ),
        mesh=mesh,
        compiler_params=pltpu.CompilerParams(use_tc_tiling_on_sc=False),
        scratch_types=[
            pltpu.VMEM((NCHUNK, CB), jnp.int32),
            pltpu.VMEM((NCHUNK, CB), jnp.int32),
            pltpu.VMEM((CB, DH), jnp.bfloat16),
            pltpu.VMEM((CB, DH), jnp.bfloat16),
            pltpu.VMEM((CB, CL), jnp.float32),
            pltpu.VMEM_SHARED((N_PAD, DH), jnp.bfloat16),
            pltpu.VMEM_SHARED((N_PAD, DH), jnp.bfloat16),
            pltpu.VMEM_SHARED((N_PAD, CL), jnp.float32),
            pltpu.SemaphoreType.DMA,
            pltpu.SemaphoreType.DMA,
        ],
    )
    def k(src_hbm, dst_hbm, x_hbm, zb_hbm, zs_hbm, ones_hbm, sum_out, cnt_out,
          src_v, dst_v, rows_v, rows_w, col_v, x_sh, acc_sh, cnt_sh,
          sem_a, sem_b):
        c = lax.axis_index("c")
        s = lax.axis_index("s")

        pltpu.sync_copy(src_hbm.at[pl.ds(s * NCHUNK, NCHUNK)], src_v)
        pltpu.sync_copy(dst_hbm.at[pl.ds(s * NCHUNK, NCHUNK)], dst_v)

        zoff = s * ROWS_PT
        pltpu.sync_copy(x_hbm.at[pl.ds(c * N_PAD + zoff, ROWS_PT)],
                        x_sh.at[pl.ds(zoff, ROWS_PT)])
        pltpu.sync_copy(zb_hbm, acc_sh.at[pl.ds(zoff, ROWS_PT)])
        pltpu.sync_copy(zs_hbm, cnt_sh.at[pl.ds(zoff, ROWS_PT)])
        pltpu.sync_copy(ones_hbm, col_v)
        plsc.subcore_barrier()

        pltpu.async_copy(x_sh.at[src_v.at[0]], rows_v, sem_a)

        def chunk(i, carry):
            ja = 2 * i
            jb = ja + 1
            pltpu.async_copy(x_sh.at[src_v.at[jb]], rows_w, sem_b)
            pltpu.make_async_copy(x_sh.at[src_v.at[ja]], rows_v, sem_a).wait()
            pltpu.sync_copy(rows_v, acc_sh.at[dst_v.at[ja]], add=True)

            @pl.when(c == 0)
            def _():
                pltpu.sync_copy(col_v, cnt_sh.at[dst_v.at[ja]], add=True)

            @pl.when(jb + 1 < NCHUNK)
            def _():
                pltpu.async_copy(x_sh.at[src_v.at[jb + 1]], rows_v, sem_a)

            pltpu.make_async_copy(x_sh.at[src_v.at[jb]], rows_w, sem_b).wait()
            pltpu.sync_copy(rows_w, acc_sh.at[dst_v.at[jb]], add=True)

            @pl.when(c == 1)
            def _():
                pltpu.sync_copy(col_v, cnt_sh.at[dst_v.at[jb]], add=True)

            return carry

        lax.fori_loop(0, NCHUNK // 2, chunk, None)
        plsc.subcore_barrier()

        pltpu.sync_copy(acc_sh.at[pl.ds(zoff, ROWS_PT)],
                        sum_out.at[pl.ds(c * N_PAD + zoff, ROWS_PT)])
        pltpu.sync_copy(cnt_sh.at[pl.ds(zoff, ROWS_PT)],
                        cnt_out.at[pl.ds(c * N_PAD + zoff, ROWS_PT)])

    return k(src2, dst2, xb2, zeros_big, zeros_small, ones_small)


def _tc_finish(sum_lo, sum_hi, cnt0, cnt1, x, W_l, b_l, W_r):
    BLK = 1000
    dn = (((1,), (1,)), ((), ()))

    def body(slo, shi, c0, c1, xr, wl, bl, wr, out):
        ssum = jnp.concatenate(
            [slo[...].astype(jnp.float32), shi[...].astype(jnp.float32)],
            axis=1)
        cnt_col = c0[:, 0:1] + c1[:, 0:1]
        mean = ssum / jnp.maximum(cnt_col, 1.0)
        h = (lax.dot_general(mean, wl[...], dn,
                             precision=lax.Precision.HIGHEST,
                             preferred_element_type=jnp.float32)
             + bl[...]
             + lax.dot_general(xr[...], wr[...], dn,
                               precision=lax.Precision.HIGHEST,
                               preferred_element_type=jnp.float32))
        nrm = jnp.sqrt(jnp.sum(h * h, axis=1, keepdims=True))
        out[...] = h / jnp.maximum(nrm, 1e-12)

    return pl.pallas_call(
        body,
        grid=(N // BLK,),
        in_specs=[
            pl.BlockSpec((BLK, DH), lambda i: (i, 0)),
            pl.BlockSpec((BLK, DH), lambda i: (i, 0)),
            pl.BlockSpec((BLK, CL), lambda i: (i, 0)),
            pl.BlockSpec((BLK, CL), lambda i: (i, 0)),
            pl.BlockSpec((BLK, D), lambda i: (i, 0)),
            pl.BlockSpec((H, D), lambda i: (0, 0)),
            pl.BlockSpec((1, H), lambda i: (0, 0)),
            pl.BlockSpec((H, D), lambda i: (0, 0)),
        ],
        out_specs=pl.BlockSpec((BLK, H), lambda i: (i, 0)),
        out_shape=jax.ShapeDtypeStruct((N, H), jnp.float32),
    )(sum_lo, sum_hi, cnt0, cnt1, x, W_l, b_l.reshape(1, H), W_r)


def kernel(edge_index, x, W_l, b_l, W_r):
    src = edge_index[0]
    dst = edge_index[1]
    pad = E_PAD - E
    src_p = jnp.concatenate(
        [src, jnp.zeros((pad,), jnp.int32)]).reshape(NS * NCHUNK, CB)
    dst_p = jnp.concatenate(
        [dst, jnp.full((pad,), N_PAD - 1, jnp.int32)]).reshape(NS * NCHUNK, CB)
    xb = x.astype(jnp.bfloat16)
    xbp = jnp.concatenate([xb, jnp.zeros((N_PAD - N, D), jnp.bfloat16)])
    xb2 = jnp.concatenate([xbp[:, :DH], xbp[:, DH:]])
    zeros_big = jnp.zeros((ROWS_PT, DH), jnp.bfloat16)
    zeros_small = jnp.zeros((ROWS_PT, CL), jnp.float32)
    ones_small = jnp.ones((CB, CL), jnp.float32)
    sums, cnts = _sc_segment_sum(src_p, dst_p, xb2, zeros_big, zeros_small,
                                 ones_small)
    sum_lo, sum_hi = sums[:N], sums[N_PAD:N_PAD + N]
    cnt0, cnt1 = cnts[:N], cnts[N_PAD:N_PAD + N]
    return _tc_finish(sum_lo, sum_hi, cnt0, cnt1, x, W_l, b_l, W_r)

# --- scband reference (transcript-rebuilt; emitter-appended) ---
"""Pipeline reference for scband-sage-47991964565964 (READ-ONLY COPY).

The authoritative reference and input builder live on the scoring server;
editing this copy changes nothing except your own understanding.
"""

import jax, jax.numpy as jnp
import numpy as np

N = 10000
E = 320000
D = 128
H = 128


def setup_inputs(seed: int = 0) -> dict:
    key = jax.random.key(seed)
    k1, k2, k3, k4 = jax.random.split(key, 4)
    x = jax.random.normal(k1, (N, D), dtype=jnp.float32)
    edge_index = jax.random.randint(k2, (2, E), 0, N, dtype=jnp.int32)
    # SAGEConv params: lin_l (applied to aggregated neighbors, has bias),
    # lin_r (applied to root/self features, no bias)
    W_l = jax.random.normal(k3, (H, D), dtype=jnp.float32) * 0.05
    b_l = jnp.zeros((H,), dtype=jnp.float32)
    W_r = jax.random.normal(k4, (H, D), dtype=jnp.float32) * 0.05
    return {"edge_index": edge_index, "x": x, "W_l": W_l, "b_l": b_l, "W_r": W_r}


def reference(edge_index, x, W_l, b_l, W_r):
    # PyG SAGEConv with aggr='mean', normalize=True:
    # out = lin_l(mean_{j in N(i)} x_j) + lin_r(x_i); out = l2_normalize(out)
    src = edge_index[0]
    dst = edge_index[1]
    msgs = jnp.take(x, src, axis=0)                                  # gather x_j
    summed = jax.ops.segment_sum(msgs, dst, num_segments=N)          # scatter-add
    counts = jax.ops.segment_sum(jnp.ones((E,), dtype=x.dtype), dst, num_segments=N)
    mean_agg = summed / jnp.maximum(counts, 1.0)[:, None]
    out = mean_agg @ W_l.T + b_l + x @ W_r.T
    # F.normalize(out, p=2, dim=-1)
    norm = jnp.linalg.norm(out, axis=-1, keepdims=True)
    out = out / jnp.maximum(norm, 1e-12)
    return out

if __name__ == "__main__":
    import jax
    _d = setup_inputs()
    print(jax.jit(kernel)(*tuple(_d.values())))

</pallas_src>

<mosaic_0001>
#map = affine_map<(d0, d1) -> (0, 0)>
module attributes {stable_mosaic.version = 14 : i64} {
  func.func @k(%arg0: i32, %arg1: i32, %arg2: memref<2560x128xi32, #tpu.memory_space<hbm>>, %arg3: memref<2560x128xi32, #tpu.memory_space<hbm>>, %arg4: memref<20480x64xbf16, #tpu.memory_space<hbm>>, %arg5: memref<640x64xbf16, #tpu.memory_space<hbm>>, %arg6: memref<640x8xf32, #tpu.memory_space<hbm>>, %arg7: memref<128x8xf32, #tpu.memory_space<hbm>>, %arg8: memref<20480x64xbf16, #tpu.memory_space<hbm>>, %arg9: memref<20480x8xf32, #tpu.memory_space<hbm>>, %arg10: memref<160x128xi32, #tpu.memory_space<vmem>>, %arg11: memref<160x128xi32, #tpu.memory_space<vmem>>, %arg12: memref<128x64xbf16, #tpu.memory_space<vmem>>, %arg13: memref<128x64xbf16, #tpu.memory_space<vmem>>, %arg14: memref<128x8xf32, #tpu.memory_space<vmem>>, %arg15: memref<10240x64xbf16, #tpu.memory_space<vmem_shared>>, %arg16: memref<10240x64xbf16, #tpu.memory_space<vmem_shared>>, %arg17: memref<10240x8xf32, #tpu.memory_space<vmem_shared>>, %arg18: memref<!tpu.dma_semaphore, #tpu.memory_space<semaphore_mem>>, %arg19: memref<!tpu.dma_semaphore, #tpu.memory_space<semaphore_mem>>) attributes {dimension_semantics = [#tpu.dimension_semantics<core_parallel>, #tpu.dimension_semantics<subcore_parallel>], iteration_bounds = array<i64: 2, 16>, scalar_prefetch = 0 : i64, scratch_operands = 10 : i64, tpu.core_type = #tpu.core_type<sc_vector_subcore>, window_params = [{transform_indices = #map}, {transform_indices = #map}, {transform_indices = #map}, {transform_indices = #map}, {transform_indices = #map}, {transform_indices = #map}, {transform_indices = #map}, {transform_indices = #map}]} {
    %mul3A = arith.constant 160 : i32
    %mul3A_0 = arith.muli %arg1, %mul3A : i32
    "tpu.region"() ({
      %run_scoped3A = tpu.sem_alloc : memref<!tpu.dma_semaphore, #tpu.memory_space<semaphore_mem>>
      %dma_start3A_24 = arith.constant 0 : i32
      %dma_start3A_25 = tpu.memref_slice %arg2[%mul3A_0, %dma_start3A_24] : memref<2560x128xi32, #tpu.memory_space<hbm>> -> memref<160x128xi32, #tpu.memory_space<hbm>>
      %dma_start3A_26 = arith.constant 0 : i32
      %dma_start3A_27 = tpu.memref_slice %arg2[%mul3A_0, %dma_start3A_26] : memref<2560x128xi32, #tpu.memory_space<hbm>> -> memref<160x128xi32, #tpu.memory_space<hbm>>
      tpu.enqueue_dma source(%dma_start3A_27 : memref<160x128xi32, #tpu.memory_space<hbm>>) target(%arg10 : memref<160x128xi32, #tpu.memory_space<vmem>>) target_semaphore(%run_scoped3A : memref<!tpu.dma_semaphore, #tpu.memory_space<semaphore_mem>>)
      %dma_wait3A = arith.constant 0 : i32
      %dma_wait3A_28 = tpu.memref_slice %arg2[%mul3A_0, %dma_wait3A] : memref<2560x128xi32, #tpu.memory_space<hbm>> -> memref<160x128xi32, #tpu.memory_space<hbm>>
      %dma_wait3A_29 = arith.constant 0 : i32
      %dma_wait3A_30 = tpu.memref_slice %arg2[%mul3A_0, %dma_wait3A_29] : memref<2560x128xi32, #tpu.memory_space<hbm>> -> memref<160x128xi32, #tpu.memory_space<hbm>>
      tpu.wait_dma2 semaphore(%run_scoped3A : memref<!tpu.dma_semaphore, #tpu.memory_space<semaphore_mem>>) src(%dma_wait3A_30 : memref<160x128xi32, #tpu.memory_space<hbm>>) dst(%arg10 : memref<160x128xi32, #tpu.memory_space<vmem>>)
      tpu.yield
    }) : () -> ()
    %mul3A_1 = arith.constant 160 : i32
    %mul3A_2 = arith.muli %arg1, %mul3A_1 : i32
    "tpu.region"() ({
      %run_scoped3A = tpu.sem_alloc : memref<!tpu.dma_semaphore, #tpu.memory_space<semaphore_mem>>
      %dma_start3A_24 = arith.constant 0 : i32
      %dma_start3A_25 = tpu.memref_slice %arg3[%mul3A_2, %dma_start3A_24] : memref<2560x128xi32, #tpu.memory_space<hbm>> -> memref<160x128xi32, #tpu.memory_space<hbm>>
      %dma_start3A_26 = arith.constant 0 : i32
      %dma_start3A_27 = tpu.memref_slice %arg3[%mul3A_2, %dma_start3A_26] : memref<2560x128xi32, #tpu.memory_space<hbm>> -> memref<160x128xi32, #tpu.memory_space<hbm>>
      tpu.enqueue_dma source(%dma_start3A_27 : memref<160x128xi32, #tpu.memory_space<hbm>>) target(%arg11 : memref<160x128xi32, #tpu.memory_space<vmem>>) target_semaphore(%run_scoped3A : memref<!tpu.dma_semaphore, #tpu.memory_space<semaphore_mem>>)
      %dma_wait3A = arith.constant 0 : i32
      %dma_wait3A_28 = tpu.memref_slice %arg3[%mul3A_2, %dma_wait3A] : memref<2560x128xi32, #tpu.memory_space<hbm>> -> memref<160x128xi32, #tpu.memory_space<hbm>>
      %dma_wait3A_29 = arith.constant 0 : i32
      %dma_wait3A_30 = tpu.memref_slice %arg3[%mul3A_2, %dma_wait3A_29] : memref<2560x128xi32, #tpu.memory_space<hbm>> -> memref<160x128xi32, #tpu.memory_space<hbm>>
      tpu.wait_dma2 semaphore(%run_scoped3A : memref<!tpu.dma_semaphore, #tpu.memory_space<semaphore_mem>>) src(%dma_wait3A_30 : memref<160x128xi32, #tpu.memory_space<hbm>>) dst(%arg11 : memref<160x128xi32, #tpu.memory_space<vmem>>)
      tpu.yield
    }) : () -> ()
    %mul3A_3 = arith.constant 640 : i32
    %mul3A_4 = arith.muli %arg1, %mul3A_3 : i32
    %mul3A_5 = arith.constant 10240 : i32
    %mul3A_6 = arith.muli %arg0, %mul3A_5 : i32
    %add3A = arith.addi %mul3A_6, %mul3A_4 : i32
    "tpu.region"() ({
      %run_scoped3A = tpu.sem_alloc : memref<!tpu.dma_semaphore, #tpu.memory_space<semaphore_mem>>
      %dma_start3A_24 = arith.constant 0 : i32
      %dma_start3A_25 = tpu.memref_slice %arg15[%mul3A_4, %dma_start3A_24] : memref<10240x64xbf16, #tpu.memory_space<vmem_shared>> -> memref<640x64xbf16, #tpu.memory_space<vmem_shared>>
      %dma_start3A_26 = arith.constant 0 : i32
      %dma_start3A_27 = tpu.memref_slice %arg4[%add3A, %dma_start3A_26] : memref<20480x64xbf16, #tpu.memory_space<hbm>> -> memref<640x64xbf16, #tpu.memory_space<hbm>>
      tpu.enqueue_dma source(%dma_start3A_27 : memref<640x64xbf16, #tpu.memory_space<hbm>>) target(%dma_start3A_25 : memref<640x64xbf16, #tpu.memory_space<vmem_shared>>) target_semaphore(%run_scoped3A : memref<!tpu.dma_semaphore, #tpu.memory_space<semaphore_mem>>)
      %dma_wait3A = arith.constant 0 : i32
      %dma_wait3A_28 = tpu.memref_slice %arg15[%mul3A_4, %dma_wait3A] : memref<10240x64xbf16, #tpu.memory_space<vmem_shared>> -> memref<640x64xbf16, #tpu.memory_space<vmem_shared>>
      %dma_wait3A_29 = arith.constant 0 : i32
      %dma_wait3A_30 = tpu.memref_slice %arg4[%add3A, %dma_wait3A_29] : memref<20480x64xbf16, #tpu.memory_space<hbm>> -> memref<640x64xbf16, #tpu.memory_space<hbm>>
      tpu.wait_dma2 semaphore(%run_scoped3A : memref<!tpu.dma_semaphore, #tpu.memory_space<semaphore_mem>>) src(%dma_wait3A_30 : memref<640x64xbf16, #tpu.memory_space<hbm>>) dst(%dma_wait3A_28 : memref<640x64xbf16, #tpu.memory_space<vmem_shared>>)
      tpu.yield
    }) : () -> ()
    "tpu.region"() ({
      %run_scoped3A = tpu.sem_alloc : memref<!tpu.dma_semaphore, #tpu.memory_space<semaphore_mem>>
      %dma_start3A_24 = arith.constant 0 : i32
      %dma_start3A_25 = tpu.memref_slice %arg16[%mul3A_4, %dma_start3A_24] : memref<10240x64xbf16, #tpu.memory_space<vmem_shared>> -> memref<640x64xbf16, #tpu.memory_space<vmem_shared>>
      tpu.enqueue_dma source(%arg5 : memref<640x64xbf16, #tpu.memory_space<hbm>>) target(%dma_start3A_25 : memref<640x64xbf16, #tpu.memory_space<vmem_shared>>) target_semaphore(%run_scoped3A : memref<!tpu.dma_semaphore, #tpu.memory_space<semaphore_mem>>)
      %dma_wait3A = arith.constant 0 : i32
      %dma_wait3A_26 = tpu.memref_slice %arg16[%mul3A_4, %dma_wait3A] : memref<10240x64xbf16, #tpu.memory_space<vmem_shared>> -> memref<640x64xbf16, #tpu.memory_space<vmem_shared>>
      tpu.wait_dma2 semaphore(%run_scoped3A : memref<!tpu.dma_semaphore, #tpu.memory_space<semaphore_mem>>) src(%arg5 : memref<640x64xbf16, #tpu.memory_space<hbm>>) dst(%dma_wait3A_26 : memref<640x64xbf16, #tpu.memory_space<vmem_shared>>)
      tpu.yield
    }) : () -> ()
    "tpu.region"() ({
      %run_scoped3A = tpu.sem_alloc : memref<!tpu.dma_semaphore, #tpu.memory_space<semaphore_mem>>
      %dma_start3A_24 = arith.constant 0 : i32
      %dma_start3A_25 = tpu.memref_slice %arg17[%mul3A_4, %dma_start3A_24] : memref<10240x8xf32, #tpu.memory_space<vmem_shared>> -> memref<640x8xf32, #tpu.memory_space<vmem_shared>>
      tpu.enqueue_dma source(%arg6 : memref<640x8xf32, #tpu.memory_space<hbm>>) target(%dma_start3A_25 : memref<640x8xf32, #tpu.memory_space<vmem_shared>>) target_semaphore(%run_scoped3A : memref<!tpu.dma_semaphore, #tpu.memory_space<semaphore_mem>>)
      %dma_wait3A = arith.constant 0 : i32
      %dma_wait3A_26 = tpu.memref_slice %arg17[%mul3A_4, %dma_wait3A] : memref<10240x8xf32, #tpu.memory_space<vmem_shared>> -> memref<640x8xf32, #tpu.memory_space<vmem_shared>>
      tpu.wait_dma2 semaphore(%run_scoped3A : memref<!tpu.dma_semaphore, #tpu.memory_space<semaphore_mem>>) src(%arg6 : memref<640x8xf32, #tpu.memory_space<hbm>>) dst(%dma_wait3A_26 : memref<640x8xf32, #tpu.memory_space<vmem_shared>>)
      tpu.yield
    }) : () -> ()
    "tpu.region"() ({
      %run_scoped3A = tpu.sem_alloc : memref<!tpu.dma_semaphore, #tpu.memory_space<semaphore_mem>>
      tpu.enqueue_dma source(%arg7 : memref<128x8xf32, #tpu.memory_space<hbm>>) target(%arg14 : memref<128x8xf32, #tpu.memory_space<vmem>>) target_semaphore(%run_scoped3A : memref<!tpu.dma_semaphore, #tpu.memory_space<semaphore_mem>>)
      tpu.wait_dma2 semaphore(%run_scoped3A : memref<!tpu.dma_semaphore, #tpu.memory_space<semaphore_mem>>) src(%arg7 : memref<128x8xf32, #tpu.memory_space<hbm>>) dst(%arg14 : memref<128x8xf32, #tpu.memory_space<vmem>>)
      tpu.yield
    }) : () -> ()
    %barrier3A = arith.constant 0 : index
    tpu.barrier barrier_id(%barrier3A)
    %dma_start3A = arith.constant 0 : i32
    %dma_start3A_7 = arith.constant 0 : i32
    %dma_start3A_8 = tpu.memref_slice %arg10[%dma_start3A, %dma_start3A_7] : memref<160x128xi32, #tpu.memory_space<vmem>> -> memref<1x128xi32, #tpu.memory_space<vmem>>
    %dma_start3A_9 = tpu.memref_squeeze %dma_start3A_8 : memref<1x128xi32, #tpu.memory_space<vmem>> -> memref<128xi32, #tpu.memory_space<vmem>>
    %dma_start3A_10 = arith.constant 0 : i32
    %dma_start3A_11 = arith.constant 0 : i32
    %dma_start3A_12 = tpu.memref_slice %arg15[%dma_start3A_10, %dma_start3A_11] : memref<10240x64xbf16, #tpu.memory_space<vmem_shared>> -> memref<10240x64xbf16, #tpu.memory_space<vmem_shared>>
    tpu.enqueue_indirect_dma source(%dma_start3A_12 : memref<10240x64xbf16, #tpu.memory_space<vmem_shared>>) target(%arg12 : memref<128x64xbf16, #tpu.memory_space<vmem>>) offsets(%dma_start3A_9 : memref<128xi32, #tpu.memory_space<vmem>>) semaphore(%arg18 : memref<!tpu.dma_semaphore, #tpu.memory_space<semaphore_mem>>)
    %scan3A = arith.constant 0 : i32
    %scan3A_13 = arith.constant 80 : i32
    %scan3A_14 = arith.addi %scan3A, %scan3A_13 : i32
    %scan3A_15 = arith.constant 1 : i32
    scf.for %scan3A_24 = %scan3A to %scan3A_14 step %scan3A_15  : i32 {
      %mul3A_25 = arith.constant 2 : i32
      %mul3A_26 = arith.muli %mul3A_25, %scan3A_24 : i32
      %add3A_27 = arith.constant 1 : i32
      %add3A_28 = arith.addi %mul3A_26, %add3A_27 : i32
      %dma_start3A_29 = arith.constant 0 : i32
      %dma_start3A_30 = tpu.memref_slice %arg10[%add3A_28, %dma_start3A_29] : memref<160x128xi32, #tpu.memory_space<vmem>> -> memref<1x128xi32, #tpu.memory_space<vmem>>
      %dma_start3A_31 = tpu.memref_squeeze %dma_start3A_30 : memref<1x128xi32, #tpu.memory_space<vmem>> -> memref<128xi32, #tpu.memory_space<vmem>>
      %dma_start3A_32 = arith.constant 0 : i32
      %dma_start3A_33 = arith.constant 0 : i32
      %dma_start3A_34 = tpu.memref_slice %arg15[%dma_start3A_32, %dma_start3A_33] : memref<10240x64xbf16, #tpu.memory_space<vmem_shared>> -> memref<10240x64xbf16, #tpu.memory_space<vmem_shared>>
      tpu.enqueue_indirect_dma source(%dma_start3A_34 : memref<10240x64xbf16, #tpu.memory_space<vmem_shared>>) target(%arg13 : memref<128x64xbf16, #tpu.memory_space<vmem>>) offsets(%dma_start3A_31 : memref<128xi32, #tpu.memory_space<vmem>>) semaphore(%arg19 : memref<!tpu.dma_semaphore, #tpu.memory_space<semaphore_mem>>)
      %dma_wait3A = arith.constant 0 : i32
      %dma_wait3A_35 = tpu.memref_slice %arg10[%mul3A_26, %dma_wait3A] : memref<160x128xi32, #tpu.memory_space<vmem>> -> memref<1x128xi32, #tpu.memory_space<vmem>>
      %dma_wait3A_36 = tpu.memref_squeeze %dma_wait3A_35 : memref<1x128xi32, #tpu.memory_space<vmem>> -> memref<128xi32, #tpu.memory_space<vmem>>
      %dma_wait3A_37 = arith.constant 0 : i32
      %dma_wait3A_38 = arith.constant 0 : i32
      %dma_wait3A_39 = tpu.memref_slice %arg15[%dma_wait3A_37, %dma_wait3A_38] : memref<10240x64xbf16, #tpu.memory_space<vmem_shared>> -> memref<10240x64xbf16, #tpu.memory_space<vmem_shared>>
      tpu.wait_indirect_dma semaphore(%arg18 : memref<!tpu.dma_semaphore, #tpu.memory_space<semaphore_mem>>) src(%dma_wait3A_39 : memref<10240x64xbf16, #tpu.memory_space<vmem_shared>>) dst(%arg12 : memref<128x64xbf16, #tpu.memory_space<vmem>>)
      "tpu.region"() ({
        %run_scoped3A = tpu.sem_alloc : memref<!tpu.dma_semaphore, #tpu.memory_space<semaphore_mem>>
        %dma_start3A_59 = arith.constant 0 : i32
        %dma_start3A_60 = tpu.memref_slice %arg11[%mul3A_26, %dma_start3A_59] : memref<160x128xi32, #tpu.memory_space<vmem>> -> memref<1x128xi32, #tpu.memory_space<vmem>>
        %dma_start3A_61 = tpu.memref_squeeze %dma_start3A_60 : memref<1x128xi32, #tpu.memory_space<vmem>> -> memref<128xi32, #tpu.memory_space<vmem>>
        %dma_start3A_62 = arith.constant 0 : i32
        %dma_start3A_63 = arith.constant 0 : i32
        %dma_start3A_64 = tpu.memref_slice %arg16[%dma_start3A_62, %dma_start3A_63] : memref<10240x64xbf16, #tpu.memory_space<vmem_shared>> -> memref<10240x64xbf16, #tpu.memory_space<vmem_shared>>
        tpu.enqueue_indirect_dma source(%arg12 : memref<128x64xbf16, #tpu.memory_space<vmem>>) target(%dma_start3A_64 : memref<10240x64xbf16, #tpu.memory_space<vmem_shared>>) offsets(%dma_start3A_61 : memref<128xi32, #tpu.memory_space<vmem>>) semaphore(%run_scoped3A : memref<!tpu.dma_semaphore, #tpu.memory_space<semaphore_mem>>) {add = true}
        %dma_wait3A_65 = arith.constant 0 : i32
        %dma_wait3A_66 = tpu.memref_slice %arg11[%mul3A_26, %dma_wait3A_65] : memref<160x128xi32, #tpu.memory_space<vmem>> -> memref<1x128xi32, #tpu.memory_space<vmem>>
        %dma_wait3A_67 = tpu.memref_squeeze %dma_wait3A_66 : memref<1x128xi32, #tpu.memory_space<vmem>> -> memref<128xi32, #tpu.memory_space<vmem>>
        %dma_wait3A_68 = arith.constant 0 : i32
        %dma_wait3A_69 = arith.constant 0 : i32
        %dma_wait3A_70 = tpu.memref_slice %arg16[%dma_wait3A_68, %dma_wait3A_69] : memref<10240x64xbf16, #tpu.memory_space<vmem_shared>> -> memref<10240x64xbf16, #tpu.memory_space<vmem_shared>>
        tpu.wait_indirect_dma semaphore(%run_scoped3A : memref<!tpu.dma_semaphore, #tpu.memory_space<semaphore_mem>>) src(%arg12 : memref<128x64xbf16, #tpu.memory_space<vmem>>) dst(%dma_wait3A_70 : memref<10240x64xbf16, #tpu.memory_space<vmem_shared>>)
        tpu.yield
      }) : () -> ()
      %eq3A = arith.constant 0 : i32
      %eq3A_40 = arith.cmpi eq, %arg0, %eq3A : i32
      %convert_element_type3A = arith.extui %eq3A_40 : i1 to i32
      %cond3A = arith.constant 0 : i32
      %cond3A_41 = arith.cmpi ne, %convert_element_type3A, %cond3A : i32
      scf.if %cond3A_41 {
        "tpu.region"() ({
          %run_scoped3A = tpu.sem_alloc : memref<!tpu.dma_semaphore, #tpu.memory_space<semaphore_mem>>
          %dma_start3A_59 = arith.constant 0 : i32
          %dma_start3A_60 = tpu.memref_slice %arg11[%mul3A_26, %dma_start3A_59] : memref<160x128xi32, #tpu.memory_space<vmem>> -> memref<1x128xi32, #tpu.memory_space<vmem>>
          %dma_start3A_61 = tpu.memref_squeeze %dma_start3A_60 : memref<1x128xi32, #tpu.memory_space<vmem>> -> memref<128xi32, #tpu.memory_space<vmem>>
          %dma_start3A_62 = arith.constant 0 : i32
          %dma_start3A_63 = arith.constant 0 : i32
          %dma_start3A_64 = tpu.memref_slice %arg17[%dma_start3A_62, %dma_start3A_63] : memref<10240x8xf32, #tpu.memory_space<vmem_shared>> -> memref<10240x8xf32, #tpu.memory_space<vmem_shared>>
          tpu.enqueue_indirect_dma source(%arg14 : memref<128x8xf32, #tpu.memory_space<vmem>>) target(%dma_start3A_64 : memref<10240x8xf32, #tpu.memory_space<vmem_shared>>) offsets(%dma_start3A_61 : memref<128xi32, #tpu.memory_space<vmem>>) semaphore(%run_scoped3A : memref<!tpu.dma_semaphore, #tpu.memory_space<semaphore_mem>>) {add = true}
          %dma_wait3A_65 = arith.constant 0 : i32
          %dma_wait3A_66 = tpu.memref_slice %arg11[%mul3A_26, %dma_wait3A_65] : memref<160x128xi32, #tpu.memory_space<vmem>> -> memref<1x128xi32, #tpu.memory_space<vmem>>
          %dma_wait3A_67 = tpu.memref_squeeze %dma_wait3A_66 : memref<1x128xi32, #tpu.memory_space<vmem>> -> memref<128xi32, #tpu.memory_space<vmem>>
          %dma_wait3A_68 = arith.constant 0 : i32
          %dma_wait3A_69 = arith.constant 0 : i32
          %dma_wait3A_70 = tpu.memref_slice %arg17[%dma_wait3A_68, %dma_wait3A_69] : memref<10240x8xf32, #tpu.memory_space<vmem_shared>> -> memref<10240x8xf32, #tpu.memory_space<vmem_shared>>
          tpu.wait_indirect_dma semaphore(%run_scoped3A : memref<!tpu.dma_semaphore, #tpu.memory_space<semaphore_mem>>) src(%arg14 : memref<128x8xf32, #tpu.memory_space<vmem>>) dst(%dma_wait3A_70 : memref<10240x8xf32, #tpu.memory_space<vmem_shared>>)
          tpu.yield
        }) : () -> ()
      } else {
      }
      %add3A_42 = arith.constant 1 : i32
      %add3A_43 = arith.addi %add3A_28, %add3A_42 : i32
      %lt3A = arith.constant 160 : i32
      %lt3A_44 = arith.cmpi slt, %add3A_43, %lt3A : i32
      %convert_element_type3A_45 = arith.extui %lt3A_44 : i1 to i32
      %cond3A_46 = arith.constant 0 : i32
      %cond3A_47 = arith.cmpi ne, %convert_element_type3A_45, %cond3A_46 : i32
      scf.if %cond3A_47 {
        %add3A_59 = arith.constant 1 : i32
        %add3A_60 = arith.addi %add3A_28, %add3A_59 : i32
        %dma_start3A_61 = arith.constant 0 : i32
        %dma_start3A_62 = tpu.memref_slice %arg10[%add3A_60, %dma_start3A_61] : memref<160x128xi32, #tpu.memory_space<vmem>> -> memref<1x128xi32, #tpu.memory_space<vmem>>
        %dma_start3A_63 = tpu.memref_squeeze %dma_start3A_62 : memref<1x128xi32, #tpu.memory_space<vmem>> -> memref<128xi32, #tpu.memory_space<vmem>>
        %dma_start3A_64 = arith.constant 0 : i32
        %dma_start3A_65 = arith.constant 0 : i32
        %dma_start3A_66 = tpu.memref_slice %arg15[%dma_start3A_64, %dma_start3A_65] : memref<10240x64xbf16, #tpu.memory_space<vmem_shared>> -> memref<10240x64xbf16, #tpu.memory_space<vmem_shared>>
        tpu.enqueue_indirect_dma source(%dma_start3A_66 : memref<10240x64xbf16, #tpu.memory_space<vmem_shared>>) target(%arg12 : memref<128x64xbf16, #tpu.memory_space<vmem>>) offsets(%dma_start3A_63 : memref<128xi32, #tpu.memory_space<vmem>>) semaphore(%arg18 : memref<!tpu.dma_semaphore, #tpu.memory_space<semaphore_mem>>)
      } else {
      }
      %dma_wait3A_48 = arith.constant 0 : i32
      %dma_wait3A_49 = tpu.memref_slice %arg10[%add3A_28, %dma_wait3A_48] : memref<160x128xi32, #tpu.memory_space<vmem>> -> memref<1x128xi32, #tpu.memory_space<vmem>>
      %dma_wait3A_50 = tpu.memref_squeeze %dma_wait3A_49 : memref<1x128xi32, #tpu.memory_space<vmem>> -> memref<128xi32, #tpu.memory_space<vmem>>
      %dma_wait3A_51 = arith.constant 0 : i32
      %dma_wait3A_52 = arith.constant 0 : i32
      %dma_wait3A_53 = tpu.memref_slice %arg15[%dma_wait3A_51, %dma_wait3A_52] : memref<10240x64xbf16, #tpu.memory_space<vmem_shared>> -> memref<10240x64xbf16, #tpu.memory_space<vmem_shared>>
      tpu.wait_indirect_dma semaphore(%arg19 : memref<!tpu.dma_semaphore, #tpu.memory_space<semaphore_mem>>) src(%dma_wait3A_53 : memref<10240x64xbf16, #tpu.memory_space<vmem_shared>>) dst(%arg13 : memref<128x64xbf16, #tpu.memory_space<vmem>>)
      "tpu.region"() ({
        %run_scoped3A = tpu.sem_alloc : memref<!tpu.dma_semaphore, #tpu.memory_space<semaphore_mem>>
        %dma_start3A_59 = arith.constant 0 : i32
        %dma_start3A_60 = tpu.memref_slice %arg11[%add3A_28, %dma_start3A_59] : memref<160x128xi32, #tpu.memory_space<vmem>> -> memref<1x128xi32, #tpu.memory_space<vmem>>
        %dma_start3A_61 = tpu.memref_squeeze %dma_start3A_60 : memref<1x128xi32, #tpu.memory_space<vmem>> -> memref<128xi32, #tpu.memory_space<vmem>>
        %dma_start3A_62 = arith.constant 0 : i32
        %dma_start3A_63 = arith.constant 0 : i32
        %dma_start3A_64 = tpu.memref_slice %arg16[%dma_start3A_62, %dma_start3A_63] : memref<10240x64xbf16, #tpu.memory_space<vmem_shared>> -> memref<10240x64xbf16, #tpu.memory_space<vmem_shared>>
        tpu.enqueue_indirect_dma source(%arg13 : memref<128x64xbf16, #tpu.memory_space<vmem>>) target(%dma_start3A_64 : memref<10240x64xbf16, #tpu.memory_space<vmem_shared>>) offsets(%dma_start3A_61 : memref<128xi32, #tpu.memory_space<vmem>>) semaphore(%run_scoped3A : memref<!tpu.dma_semaphore, #tpu.memory_space<semaphore_mem>>) {add = true}
        %dma_wait3A_65 = arith.constant 0 : i32
        %dma_wait3A_66 = tpu.memref_slice %arg11[%add3A_28, %dma_wait3A_65] : memref<160x128xi32, #tpu.memory_space<vmem>> -> memref<1x128xi32, #tpu.memory_space<vmem>>
        %dma_wait3A_67 = tpu.memref_squeeze %dma_wait3A_66 : memref<1x128xi32, #tpu.memory_space<vmem>> -> memref<128xi32, #tpu.memory_space<vmem>>
        %dma_wait3A_68 = arith.constant 0 : i32
        %dma_wait3A_69 = arith.constant 0 : i32
        %dma_wait3A_70 = tpu.memref_slice %arg16[%dma_wait3A_68, %dma_wait3A_69] : memref<10240x64xbf16, #tpu.memory_space<vmem_shared>> -> memref<10240x64xbf16, #tpu.memory_space<vmem_shared>>
        tpu.wait_indirect_dma semaphore(%run_scoped3A : memref<!tpu.dma_semaphore, #tpu.memory_space<semaphore_mem>>) src(%arg13 : memref<128x64xbf16, #tpu.memory_space<vmem>>) dst(%dma_wait3A_70 : memref<10240x64xbf16, #tpu.memory_space<vmem_shared>>)
        tpu.yield
      }) : () -> ()
      %eq3A_54 = arith.constant 1 : i32
      %eq3A_55 = arith.cmpi eq, %arg0, %eq3A_54 : i32
      %convert_element_type3A_56 = arith.extui %eq3A_55 : i1 to i32
      %cond3A_57 = arith.constant 0 : i32
      %cond3A_58 = arith.cmpi ne, %convert_element_type3A_56, %cond3A_57 : i32
      scf.if %cond3A_58 {
        "tpu.region"() ({
          %run_scoped3A = tpu.sem_alloc : memref<!tpu.dma_semaphore, #tpu.memory_space<semaphore_mem>>
          %dma_start3A_59 = arith.constant 0 : i32
          %dma_start3A_60 = tpu.memref_slice %arg11[%add3A_28, %dma_start3A_59] : memref<160x128xi32, #tpu.memory_space<vmem>> -> memref<1x128xi32, #tpu.memory_space<vmem>>
          %dma_start3A_61 = tpu.memref_squeeze %dma_start3A_60 : memref<1x128xi32, #tpu.memory_space<vmem>> -> memref<128xi32, #tpu.memory_space<vmem>>
          %dma_start3A_62 = arith.constant 0 : i32
          %dma_start3A_63 = arith.constant 0 : i32
          %dma_start3A_64 = tpu.memref_slice %arg17[%dma_start3A_62, %dma_start3A_63] : memref<10240x8xf32, #tpu.memory_space<vmem_shared>> -> memref<10240x8xf32, #tpu.memory_space<vmem_shared>>
          tpu.enqueue_indirect_dma source(%arg14 : memref<128x8xf32, #tpu.memory_space<vmem>>) target(%dma_start3A_64 : memref<10240x8xf32, #tpu.memory_space<vmem_shared>>) offsets(%dma_start3A_61 : memref<128xi32, #tpu.memory_space<vmem>>) semaphore(%run_scoped3A : memref<!tpu.dma_semaphore, #tpu.memory_space<semaphore_mem>>) {add = true}
          %dma_wait3A_65 = arith.constant 0 : i32
          %dma_wait3A_66 = tpu.memref_slice %arg11[%add3A_28, %dma_wait3A_65] : memref<160x128xi32, #tpu.memory_space<vmem>> -> memref<1x128xi32, #tpu.memory_space<vmem>>
          %dma_wait3A_67 = tpu.memref_squeeze %dma_wait3A_66 : memref<1x128xi32, #tpu.memory_space<vmem>> -> memref<128xi32, #tpu.memory_space<vmem>>
          %dma_wait3A_68 = arith.constant 0 : i32
          %dma_wait3A_69 = arith.constant 0 : i32
          %dma_wait3A_70 = tpu.memref_slice %arg17[%dma_wait3A_68, %dma_wait3A_69] : memref<10240x8xf32, #tpu.memory_space<vmem_shared>> -> memref<10240x8xf32, #tpu.memory_space<vmem_shared>>
          tpu.wait_indirect_dma semaphore(%run_scoped3A : memref<!tpu.dma_semaphore, #tpu.memory_space<semaphore_mem>>) src(%arg14 : memref<128x8xf32, #tpu.memory_space<vmem>>) dst(%dma_wait3A_70 : memref<10240x8xf32, #tpu.memory_space<vmem_shared>>)
          tpu.yield
        }) : () -> ()
      } else {
      }
    }
    %scan3A_16 = arith.constant 80 : i32
    %barrier3A_17 = arith.constant 0 : index
    tpu.barrier barrier_id(%barrier3A_17)
    %mul3A_18 = arith.constant 10240 : i32
    %mul3A_19 = arith.muli %arg0, %mul3A_18 : i32
    %add3A_20 = arith.addi %mul3A_19, %mul3A_4 : i32
    "tpu.region"() ({
      %run_scoped3A = tpu.sem_alloc : memref<!tpu.dma_semaphore, #tpu.memory_space<semaphore_mem>>
      %dma_start3A_24 = arith.constant 0 : i32
      %dma_start3A_25 = tpu.memref_slice %arg8[%add3A_20, %dma_start3A_24] : memref<20480x64xbf16, #tpu.memory_space<hbm>> -> memref<640x64xbf16, #tpu.memory_space<hbm>>
      %dma_start3A_26 = arith.constant 0 : i32
      %dma_start3A_27 = tpu.memref_slice %arg16[%mul3A_4, %dma_start3A_26] : memref<10240x64xbf16, #tpu.memory_space<vmem_shared>> -> memref<640x64xbf16, #tpu.memory_space<vmem_shared>>
      tpu.enqueue_dma source(%dma_start3A_27 : memref<640x64xbf16, #tpu.memory_space<vmem_shared>>) target(%dma_start3A_25 : memref<640x64xbf16, #tpu.memory_space<hbm>>) target_semaphore(%run_scoped3A : memref<!tpu.dma_semaphore, #tpu.memory_space<semaphore_mem>>)
      %dma_wait3A = arith.constant 0 : i32
      %dma_wait3A_28 = tpu.memref_slice %arg8[%add3A_20, %dma_wait3A] : memref<20480x64xbf16, #tpu.memory_space<hbm>> -> memref<640x64xbf16, #tpu.memory_space<hbm>>
      %dma_wait3A_29 = arith.constant 0 : i32
      %dma_wait3A_30 = tpu.memref_slice %arg16[%mul3A_4, %dma_wait3A_29] : memref<10240x64xbf16, #tpu.memory_space<vmem_shared>> -> memref<640x64xbf16, #tpu.memory_space<vmem_shared>>
      tpu.wait_dma2 semaphore(%run_scoped3A : memref<!tpu.dma_semaphore, #tpu.memory_space<semaphore_mem>>) src(%dma_wait3A_30 : memref<640x64xbf16, #tpu.memory_space<vmem_shared>>) dst(%dma_wait3A_28 : memref<640x64xbf16, #tpu.memory_space<hbm>>)
      tpu.yield
    }) : () -> ()
    %mul3A_21 = arith.constant 10240 : i32
    %mul3A_22 = arith.muli %arg0, %mul3A_21 : i32
    %add3A_23 = arith.addi %mul3A_22, %mul3A_4 : i32
    "tpu.region"() ({
      %run_scoped3A = tpu.sem_alloc : memref<!tpu.dma_semaphore, #tpu.memory_space<semaphore_mem>>
      %dma_start3A_24 = arith.constant 0 : i32
      %dma_start3A_25 = tpu.memref_slice %arg9[%add3A_23, %dma_start3A_24] : memref<20480x8xf32, #tpu.memory_space<hbm>> -> memref<640x8xf32, #tpu.memory_space<hbm>>
      %dma_start3A_26 = arith.constant 0 : i32
      %dma_start3A_27 = tpu.memref_slice %arg17[%mul3A_4, %dma_start3A_26] : memref<10240x8xf32, #tpu.memory_space<vmem_shared>> -> memref<640x8xf32, #tpu.memory_space<vmem_shared>>
      tpu.enqueue_dma source(%dma_start3A_27 : memref<640x8xf32, #tpu.memory_space<vmem_shared>>) target(%dma_start3A_25 : memref<640x8xf32, #tpu.memory_space<hbm>>) target_semaphore(%run_scoped3A : memref<!tpu.dma_semaphore, #tpu.memory_space<semaphore_mem>>)
      %dma_wait3A = arith.constant 0 : i32
      %dma_wait3A_28 = tpu.memref_slice %arg9[%add3A_23, %dma_wait3A] : memref<20480x8xf32, #tpu.memory_space<hbm>> -> memref<640x8xf32, #tpu.memory_space<hbm>>
      %dma_wait3A_29 = arith.constant 0 : i32
      %dma_wait3A_30 = tpu.memref_slice %arg17[%mul3A_4, %dma_wait3A_29] : memref<10240x8xf32, #tpu.memory_space<vmem_shared>> -> memref<640x8xf32, #tpu.memory_space<vmem_shared>>
      tpu.wait_dma2 semaphore(%run_scoped3A : memref<!tpu.dma_semaphore, #tpu.memory_space<semaphore_mem>>) src(%dma_wait3A_30 : memref<640x8xf32, #tpu.memory_space<vmem_shared>>) dst(%dma_wait3A_28 : memref<640x8xf32, #tpu.memory_space<hbm>>)
      tpu.yield
    }) : () -> ()
    return
  }
}

module attributes {stable_mosaic.version = 14 : i64} {
  func.func @body(%arg0: i32, %arg1: memref<1000x64xbf16, #tpu.memory_space<vmem>>, %arg2: memref<1000x64xbf16, #tpu.memory_space<vmem>>, %arg3: memref<1000x8xf32, #tpu.memory_space<vmem>>, %arg4: memref<1000x8xf32, #tpu.memory_space<vmem>>, %arg5: memref<1000x128xf32, #tpu.memory_space<vmem>>, %arg6: memref<128x128xf32, #tpu.memory_space<vmem>>, %arg7: memref<1x128xf32, #tpu.memory_space<vmem>>, %arg8: memref<128x128xf32, #tpu.memory_space<vmem>>, %arg9: memref<1000x128xf32, #tpu.memory_space<vmem>>) attributes {dimension_semantics = [#tpu.dimension_semantics<arbitrary>], iteration_bounds = array<i64: 10>, scalar_prefetch = 0 : i64, scratch_operands = 0 : i64, tpu.core_type = #tpu.core_type<tc>, window_params = [{transform_indices = @transform_0, window_bounds = array<i64: 1000, 64>}, {transform_indices = @transform_1, window_bounds = array<i64: 1000, 64>}, {transform_indices = @transform_2, window_bounds = array<i64: 1000, 8>}, {transform_indices = @transform_3, window_bounds = array<i64: 1000, 8>}, {transform_indices = @transform_4, window_bounds = array<i64: 1000, 128>}, {pipeline_mode = #tpu.pipeline_mode<synchronous>, transform_indices = @transform_5, window_bounds = array<i64: 128, 128>}, {pipeline_mode = #tpu.pipeline_mode<synchronous>, transform_indices = @transform_6, window_bounds = array<i64: 1, 128>}, {pipeline_mode = #tpu.pipeline_mode<synchronous>, transform_indices = @transform_7, window_bounds = array<i64: 128, 128>}, {transform_indices = @transform_8, window_bounds = array<i64: 1000, 128>}]} {
    %get3A = arith.constant 0 : index
    %get3A_0 = arith.constant 0 : index
    %get3A_1 = vector.load %arg1[%get3A, %get3A_0] : memref<1000x64xbf16, #tpu.memory_space<vmem>>, vector<1000x64xbf16>
    %convert_element_type3A = arith.extf %get3A_1 : vector<1000x64xbf16> to vector<1000x64xf32>
    %get3A_2 = arith.constant 0 : index
    %get3A_3 = arith.constant 0 : index
    %get3A_4 = vector.load %arg2[%get3A_2, %get3A_3] : memref<1000x64xbf16, #tpu.memory_space<vmem>>, vector<1000x64xbf16>
    %convert_element_type3A_5 = arith.extf %get3A_4 : vector<1000x64xbf16> to vector<1000x64xf32>
    %concatenate3A = tpu.concatenate %convert_element_type3A, %convert_element_type3A_5 in 1 : vector<1000x64xf32>, vector<1000x64xf32> -> vector<1000x128xf32>
    %get3A_6 = arith.constant 0 : index
    %get3A_7 = arith.constant 0 : index
    %get3A_8 = vector.load %arg3[%get3A_6, %get3A_7] : memref<1000x8xf32, #tpu.memory_space<vmem>>, vector<1000x1xf32>
    %get3A_9 = arith.constant 0 : index
    %get3A_10 = arith.constant 0 : index
    %get3A_11 = vector.load %arg4[%get3A_9, %get3A_10] : memref<1000x8xf32, #tpu.memory_space<vmem>>, vector<1000x1xf32>
    %add3A = arith.addf %get3A_8, %get3A_11 : vector<1000x1xf32>
    %max3A = arith.constant 1.000000e+00 : f32
    %max3A_12 = vector.broadcast %max3A : f32 to vector<1000x1xf32>
    %max3A_13 = arith.maximumf %add3A, %max3A_12 : vector<1000x1xf32>
    %div3A = vector.broadcast %max3A_13 : vector<1000x1xf32> to vector<1000x128xf32>
    %div3A_14 = arith.divf %concatenate3A, %div3A : vector<1000x128xf32>
    %get3A_15 = arith.constant 0 : index
    %get3A_16 = arith.constant 0 : index
    %get3A_17 = vector.load %arg6[%get3A_15, %get3A_16] : memref<128x128xf32, #tpu.memory_space<vmem>>, vector<128x128xf32>
    %dot_general3A = arith.constant dense<0.000000e+00> : vector<1000x128xf32>
    %dot_general3A_18 = tpu.matmul %div3A_14, %get3A_17, %dot_general3A {dimension_numbers = #tpu.dot_dimension_numbers<[1], [1], [0], [0], [0, 0, 1, 0], [], []>, precision = #tpu.contract_precision<fp32>, transpose_lhs_hint = false} : vector<1000x128xf32>, vector<128x128xf32>, vector<1000x128xf32> -> vector<1000x128xf32>
    %get3A_19 = arith.constant 0 : index
    %get3A_20 = arith.constant 0 : index
    %get3A_21 = vector.load %arg7[%get3A_19, %get3A_20] : memref<1x128xf32, #tpu.memory_space<vmem>>, vector<1x128xf32>
    %add3A_22 = vector.broadcast %get3A_21 : vector<1x128xf32> to vector<1000x128xf32>
    %add3A_23 = arith.addf %dot_general3A_18, %add3A_22 : vector<1000x128xf32>
    %get3A_24 = arith.constant 0 : index
    %get3A_25 = arith.constant 0 : index
    %get3A_26 = vector.load %arg5[%get3A_24, %get3A_25] : memref<1000x128xf32, #tpu.memory_space<vmem>>, vector<1000x128xf32>
    %get3A_27 = arith.constant 0 : index
    %get3A_28 = arith.constant 0 : index
    %get3A_29 = vector.load %arg8[%get3A_27, %get3A_28] : memref<128x128xf32, #tpu.memory_space<vmem>>, vector<128x128xf32>
    %dot_general3A_30 = arith.constant dense<0.000000e+00> : vector<1000x128xf32>
    %dot_general3A_31 = tpu.matmul %get3A_26, %get3A_29, %dot_general3A_30 {dimension_numbers = #tpu.dot_dimension_numbers<[1], [1], [0], [0], [0, 0, 1, 0], [], []>, precision = #tpu.contract_precision<fp32>, transpose_lhs_hint = false} : vector<1000x128xf32>, vector<128x128xf32>, vector<1000x128xf32> -> vector<1000x128xf32>
    %add3A_32 = arith.addf %add3A_23, %dot_general3A_31 : vector<1000x128xf32>
    %mul3A = arith.mulf %add3A_32, %add3A_32 : vector<1000x128xf32>
    %reduce_sum3A = arith.constant dense<0.000000e+00> : vector<1000xf32>
    %reduce_sum3A_33 = vector.multi_reduction <add>, %mul3A, %reduce_sum3A [1] : vector<1000x128xf32> to vector<1000xf32>
    %broadcast_in_dim3A = vector.shape_cast %reduce_sum3A_33 : vector<1000xf32> to vector<1000x1xf32>
    %sqrt3A = math.sqrt %broadcast_in_dim3A : vector<1000x1xf32>
    %max3A_34 = arith.constant 9.99999996E-13 : f32
    %max3A_35 = vector.broadcast %max3A_34 : f32 to vector<1000x1xf32>
    %max3A_36 = arith.maximumf %sqrt3A, %max3A_35 : vector<1000x1xf32>
    %div3A_37 = vector.broadcast %max3A_36 : vector<1000x1xf32> to vector<1000x128xf32>
    %div3A_38 = arith.divf %add3A_32, %div3A_37 : vector<1000x128xf32>
    %swap3A = arith.constant 0 : index
    %swap3A_39 = arith.constant 0 : index
    %swap3A_40 = vector.load %arg9[%swap3A, %swap3A_39] : memref<1000x128xf32, #tpu.memory_space<vmem>>, vector<1000x128xf32>
    tpu.vector_store %arg9[%swap3A, %swap3A_39], %div3A_38 {strides = array<i32>} : memref<1000x128xf32, #tpu.memory_space<vmem>>, vector<1000x128xf32>,
    return
  }
  func.func @transform_0(%arg0: i32) -> (i32, i32) {
    %c0_i32 = arith.constant 0 : i32
    %c0_i32_0 = arith.constant 0 : i32
    return %arg0, %c0_i32 : i32, i32
  }
  func.func @transform_1(%arg0: i32) -> (i32, i32) {
    %c0_i32 = arith.constant 0 : i32
    %c0_i32_0 = arith.constant 0 : i32
    return %arg0, %c0_i32 : i32, i32
  }
  func.func @transform_2(%arg0: i32) -> (i32, i32) {
    %c0_i32 = arith.constant 0 : i32
    %c0_i32_0 = arith.constant 0 : i32
    return %arg0, %c0_i32 : i32, i32
  }
  func.func @transform_3(%arg0: i32) -> (i32, i32) {
    %c0_i32 = arith.constant 0 : i32
    %c0_i32_0 = arith.constant 0 : i32
    return %arg0, %c0_i32 : i32, i32
  }
  func.func @transform_4(%arg0: i32) -> (i32, i32) {
    %c0_i32 = arith.constant 0 : i32
    %c0_i32_0 = arith.constant 0 : i32
    return %arg0, %c0_i32 : i32, i32
  }
  func.func @transform_5(%arg0: i32) -> (i32, i32) {
    %c0_i32 = arith.constant 0 : i32
    %c0_i32_0 = arith.constant 0 : i32
    %c0_i32_1 = arith.constant 0 : i32
    return %c0_i32, %c0_i32_0 : i32, i32
  }
  func.func @transform_6(%arg0: i32) -> (i32, i32) {
    %c0_i32 = arith.constant 0 : i32
    %c0_i32_0 = arith.constant 0 : i32
    %c0_i32_1 = arith.constant 0 : i32
    return %c0_i32, %c0_i32_0 : i32, i32
  }
  func.func @transform_7(%arg0: i32) -> (i32, i32) {
    %c0_i32 = arith.constant 0 : i32
    %c0_i32_0 = arith.constant 0 : i32
    %c0_i32_1 = arith.constant 0 : i32
    return %c0_i32, %c0_i32_0 : i32, i32
  }
  func.func @transform_8(%arg0: i32) -> (i32, i32) {
    %c0_i32 = arith.constant 0 : i32
    %c0_i32_0 = arith.constant 0 : i32
    return %arg0, %c0_i32 : i32, i32
  }
}

</mosaic_0001>

<sc_bundles>
// kernel: kernel.4.cloned.1.call-start
scs
__scs_entry_jumppad:
0x0: {  	(pc) =	sbr.rel $0x88, $3  }
0x1: {  	(tag) =	ssettag $0x0;
	lr =	simm.s32 $0x1  }
0x2: {  	[smem:$0x3F9C] =	sst lr;
	_ =	strace $0xD0000000  }
0x3: {  	_ = 	snop  }
0x4: {  	_ = 	snop  }
0x5: {  	_ = 	snop  }
0x6: {  	_ = 	snop  }
0x7: {  	_ = 	snop  }
__scs_overlays_trampoline_lowered:
0x8: {  	[smem:$0x3FAB] =	sst s0  }
0x9: {  	[smem:$0x3FAC] =	sst s1  }
0xa: {  	[smem:$0x3FAD] =	sst s2  }
0xb: {  	[smem:$0x3FAE] =	sst s3  }
0xc: {  	[smem:$0x3FAF] =	sst s4  }
0xd: {  	[smem:$0x3FB0] =	sst s5  }
0xe: {  	[smem:$0x3FB1] =	sst s6  }
0xf: {  	[smem:$0x3FB2] =	sst s7  }
0x10: {  	[smem:$0x3FB3] =	sst s8  }
0x11: {  	[smem:$0x3FB4] =	sst s9;
	s0 =	simm.s32 @!p0 $0x0  }
0x12: {  	s1 =	sld [smem:$0x3F9A];
	s0 =	simm.s32 @p0 $0x1  }
0x13: {  	[smem:$0x3FB5] =	sst s0;
	s0 =	simm.s32 @!p1 $0x0  }
0x14: {  	s2 =	sld [smem:$0x3F99];
	s0 =	simm.s32 @p1 $0x1  }
0x15: {  	[smem:$0x3FB6] =	sst s0;
	s0 =	simm.s32 @!p2 $0x0  }
0x16: {  	s3 =	sld [smem:$0x3FDB];
	s0 =	simm.s32 @p2 $0x1  }
0x17: {  	s4 =	simm.s32 $0x1BF5;
	[smem:$0x3FB8] =	sst s0  }
0x18: {  	s0 =	sld [smem:$0x3F9B];
	_ =	swait.ge [sflag:s4], $0x0  }
0x19: {  	s7 =	sld [smem:$0x3F9C]  }
0x1a: {  	s8 =	sadd.s32 $0xFFFFE003, lr  }
0x1b: {  	s9 =	sadd.s32 $0xFFFFFEF7, lr;
	s5 =	simm.s32 $0xFFFFFFFF;
	p2 =	slt.u32 s8, $0xFFFFF086  }
0x1c: {  	p1 =	slt.u32 s9, $0xF7A;
	s5 =	simm.s32 @!p2 $0x0  }
0x1d: {  	s5 =	simm.s32 @p1 $0x1;
	p0 =	seq.s32 s7, s2  }
0x1e: {  	s7 =	smul.u32 @!p0 $0xF7A, s2;
	p2 =	seq.s32 @!p0 s5, $0x0  }
0x1f: {  	s9 =	smul.u32 $0xF7A, s1;
	s8 =	simm.s32 @!p0 $0x1BF5;
	p2 =	por !p2, p0  }
0x20: {  	[sflag:s8] =	ssyncset.s32 @!p0 $0xFFFFF086;
	s6 =	sadd.s32 @!p0 s3, s7;
	s7 =	simm.s32 @!p0 $0x108  }
0x21: {  	s3 =	sadd.s32 s3, s9;
	s6 =	sadd.s32 @!p0 $0x88, s6;
	s7 =	simm.s32 @p2 $0x1082  }
0x22: {  	[simem:s7], [sflag:s8] =	dma.local @!p0 [hbm:s6], $0xF7A  }
0x23: {  	s9 =	sor.u32 $0xD0000000, s2;
	s6 =	simm.s32 $0x108;
	_ =	swait.ge @!p0 [sflag:s8], $0x0  }
0x24: {  	s3 =	sadd.s32 $0x88, s3;
	s6 =	simm.s32 @!p1 $0x1082;
	[sflag:s4] =	ssyncset.s32 $0xFFFFF086  }
0x25: {  	[simem:s6], [sflag:s4] =	dma.local [hbm:s3], $0xF7A  }
0x26: {  	[smem:$0x3F9C] =	sst s1;
	(tag) =	ssettag s2;
	_ =	strace s9  }
0x27: {  	s1 =	sld [smem:$0x3FAC]  }
0x28: {  	s2 =	sld [smem:$0x3FAD]  }
0x29: {  	s4 =	sld [smem:$0x3FAF]  }
0x2a: {  	p0 =	seq.s32 s5, $0x0;
	s5 =	sld [smem:$0x3FB0]  }
0x2b: {  	s6 =	sld [smem:$0x3FB1]  }
0x2c: {  	s7 =	sld [smem:$0x3FB2]  }
0x2d: {  	s3 =	simm.s32 $0x108;
	s8 =	sld [smem:$0x3FB3]  }
0x2e: {  	s3 =	simm.s32 @!p0 $0x1082;
	s9 =	sld [smem:$0x3FB4]  }
0x2f: {  	lr =	sadd.s32 s0, s3;
	s0 =	sld [smem:$0x3FAB]  }
0x30: {  	s3 =	sld [smem:$0x3FAE]  }
0x31: {  	[smem:$0x3FB7] =	sst s10  }
0x32: {  	s10 =	sld [smem:$0x3FB5];
	_ =	sdelay $0x3  }
0x33: {  	p0 =	seq.s32 s10, $0x1;
	s10 =	sld [smem:$0x3FB7];
	_ =	sdelay $0x3  }
0x34: {  	[smem:$0x3FB7] =	sst s10  }
0x35: {  	s10 =	sld [smem:$0x3FB6];
	_ =	sdelay $0x3  }
0x36: {  	p1 =	seq.s32 s10, $0x1;
	s10 =	sld [smem:$0x3FB7];
	_ =	sdelay $0x3  }
0x37: {  	[smem:$0x3FB7] =	sst s10  }
0x38: {  	s10 =	sld [smem:$0x3FB8]  }
0x39: {  	_ = 	snop;
	(pc) =	sbr.ind lr, $3  }
0x3a: {  	_ = 	snop  }
0x3b: {  	_ = 	snop  }
0x3c: {  	p2 =	seq.s32 s10, $0x1;
	s10 =	sld [smem:$0x3FB7]  }
0x3d: {  	_ =	shalt  }
0x3e: {  	_ =	shalt  }
0x3f: {  	_ =	shalt  }
0x40: {  	_ =	shalt  }
0x41: {  	_ =	shalt  }
0x42: {  	_ =	shalt  }
0x43: {  	_ =	shalt  }
0x44: {  	_ =	shalt  }
0x45: {  	_ =	shalt  }
0x46: {  	_ =	shalt  }
0x47: {  	_ =	shalt  }
0x48: {  	_ =	shalt  }
0x49: {  	_ =	shalt  }
0x4a: {  	_ =	shalt  }
0x4b: {  	_ =	shalt  }
0x4c: {  	_ =	shalt  }
0x4d: {  	_ =	shalt  }
0x4e: {  	_ =	shalt  }
0x4f: {  	_ =	shalt  }
0x50: {  	_ =	shalt  }
0x51: {  	_ =	shalt  }
0x52: {  	_ =	shalt  }
0x53: {  	_ =	shalt  }
0x54: {  	_ =	shalt  }
0x55: {  	_ =	shalt  }
0x56: {  	_ =	shalt  }
0x57: {  	_ =	shalt  }
0x58: {  	_ =	shalt  }
0x59: {  	_ =	shalt  }
0x5a: {  	_ =	shalt  }
0x5b: {  	_ =	shalt  }
0x5c: {  	_ =	shalt  }
0x5d: {  	_ =	shalt  }
0x5e: {  	_ =	shalt  }
0x5f: {  	_ =	shalt  }
0x60: {  	_ =	shalt  }
0x61: {  	_ =	shalt  }
0x62: {  	_ =	shalt  }
0x63: {  	_ =	shalt  }
0x64: {  	_ =	shalt  }
0x65: {  	_ =	shalt  }
0x66: {  	_ =	shalt  }
0x67: {  	_ =	shalt  }
0x68: {  	_ =	shalt  }
0x69: {  	_ =	shalt  }
0x6a: {  	_ =	shalt  }
0x6b: {  	_ =	shalt  }
0x6c: {  	_ =	shalt  }
0x6d: {  	_ =	shalt  }
0x6e: {  	_ =	shalt  }
0x6f: {  	_ =	shalt  }
0x70: {  	_ =	shalt  }
0x71: {  	_ =	shalt  }
0x72: {  	_ =	shalt  }
0x73: {  	_ =	shalt  }
0x74: {  	_ =	shalt  }
0x75: {  	_ =	shalt  }
0x76: {  	_ =	shalt  }
0x77: {  	_ =	shalt  }
0x78: {  	_ =	shalt  }
0x79: {  	_ =	shalt  }
0x7a: {  	_ =	shalt  }
0x7b: {  	_ =	shalt  }
0x7c: {  	_ =	shalt  }
0x7d: {  	_ =	shalt  }
0x7e: {  	_ =	shalt  }
0x7f: {  	_ =	shalt  }
0x80: {  	_ =	shalt  }
0x81: {  	_ =	shalt  }
0x82: {  	_ =	shalt  }
0x83: {  	_ =	shalt  }
0x84: {  	_ =	shalt  }
0x85: {  	_ =	shalt  }
0x86: {  	_ =	shalt  }
0x87: {  	_ =	shalt  }
.Lfunc_end0:
.L_simem_size_0:
called_computation_lowered:
.L_overlay_start_0:
0x88: {  	s2 =	sld [smem:$0x3FD9]  }
0x89: {  	s3 =	sld [smem:$0x3FFE];
	_ =	sdelay $0x1  }
0x8a: {  	s1 =	srdreg.scid  }
0x8b: {  	s0 =	sand.u32 $0x1, s1  }
0x8c: {  	s17 =	sshll.u32 s0, $0xA;
	s2 =	sadd.s32 s3, s2  }
0x8d: {  	s2 =	sadd.s32 s2, s17  }
0x8e: {  	[smem:$0x3FC3] =	sst s2  }
0x8f: {  	_ = 	snop  }
0x90: {  	s2 =	sld [smem:$0x3FD0];
	(tm) =	ssettm $0x1  }
0x91: {  	s18 =	sld [smem:$0x3FFB];
	_ =	sdelay $0x3  }
0x92: {  	_ =	strace s18  }
0x93: {  	s3 =	sld [smem:$0x3FFC];
	_ =	sdelay $0x3  }
0x94: {  	_ =	strace s3  }
0x95: {  	s3 =	sld [smem:$0x3FFD];
	_ =	sdelay $0x3  }
0x96: {  	_ =	strace s3  }
0x97: {  	_ =	strace $0x8FFFFFFF  }
0x98: {  	s19 =	sld [smem:$0x3FDB];
	_ =	sdelay $0x1  }
0x99: {  	s4 =	simm.s32 $_scs_section_size  }
0x9a: {  	s5 =	simm.s32 $_size__tile_overlayer_lowered;
	s6 =	simm.s32 $_tile_overlayer_lowered  }
0x9b: {  	s22 =	simm.s32 $0x1BFF;
	s21 =	sshll.u32 s6, $0x1;
	s3 =	sadd.s32 s4, s19  }
0x9c: {  	s7 =	simm.s32 $0x0;
	s20 =	sshll.u32 s5, $0x1;
	s5 =	sadd.s32 s21, s3  }
0x9d: {  	[timem:s7], [sflag:s22] =	dma.local [hbm:s5], s20  }
0x9e: {  	_ =	swait.ge [sflag:s22], s20  }
0x9f: {  	s4 =	ssub.s32 $0x0, s20;
	[sflag:s22] =	ssyncset.done $0x0  }
0xa0: {  	[sflag:s22] =	ssyncadd.s32 s4;
	_ =	sdelay $0x1  }
0xa1: {  	s23 =	simm.s32 $0x1B8B  }
0xa2: {  	_ =	swait.ge [sflag:s23], $0x1  }
0xa3: {  	[sflag:s23] =	ssyncset.done $0x0  }
0xa4: {  	s25 =	simm.s32 $0x1B8E;
	s24 =	sld [smem:$0x3FFE];
	[sflag:s23] =	ssyncadd.s32 $0xFFFFFFFF  }
0xa5: {  	s26 =	simm.s32 $execute0_lowered;
	[smem:$0x3FD2] =	sst s25  }
0xa6: {  	s5 =	sshll.u32 s26, $0x1;
	_ =	strace $0x80000046;
	[dreg:$0x1] =	wrdreg $0xFFFFFFFF  }
0xa7: {  	s28 =	simm.s32 $_size_execute0_lowered;
	s3 =	sadd.s32 s3, s5;
	[dreg:$0x0] =	wrdreg $0x0  }
0xa8: {  	s5 =	sshll.u32 s28, $0x1;
	[dreg:$0x2] =	wrdreg s3  }
0xa9: {  	[dreg:$0x3] =	wrdreg s5  }
0xaa: {  	[dreg:$0x4] =	wrdreg $0xC0  }
0xab: {  	_ =	task [dreg:s7], $0x5FFFF  }
0xac: {  	[dreg:$0x1] =	wrdreg $0xFFFFFFFF  }
0xad: {  	[dreg:$0x0] =	wrdreg $0x60  }
0xae: {  	[dreg:$0x2] =	wrdreg s24  }
0xaf: {  	[dreg:$0x3] =	wrdreg s2  }
0xb0: {  	[dreg:$0x4] =	wrdreg $0xC4000  }
0xb1: {  	[dreg:$0x5] =	wrdreg $0x114000  }
0xb2: {  	[dreg:$0x6] =	wrdreg $0x164000  }
0xb3: {  	[dreg:$0x7] =	wrdreg $0x9  }
0xb4: {  	_ =	task.clear_ibuf [dreg:s7], $0x8FFFF;
	_ =	strace $0x90000046  }
0xb5: {  	s29 =	simm.s32 $0x9;
	_ =	strace $0x80000048  }
0xb6: {  	_ =	swait.ge [sflag:s29], $0x1  }
0xb7: {  	[sflag:s29] =	ssyncadd.s32 $0xFFFFFFFF  }
0xb8: {  	_ =	strace $0x90000048  }
0xb9: {  	_ =	sfence  }
0xba: {  	s30 =	sld [smem:$0x0];
	_ =	sdelay $0x2  }
0xbb: {  	s31 =	sshll.u32 s1, $0xD;
	s1 =	sshrl.u32 s1, $0x2  }
0xbc: {  	s3 =	sand.u32 $0x4000, s31;
	s1 =	sadd.s32 s1, s30  }
0xbd: {  	s0 =	sor.u32 s3, s0;
	s1 =	sshll.u32 s1, $0x11  }
0xbe: {  	s0 =	sor.u32 s1, s0  }
0xbf: {  	s0 =	sadd.s32 $0x8F2B, s0  }
0xc0: {  	[sflag:s0] =	ssyncadd.remote.s32 $0x1  }
0xc1: {  	_ =	sfence.sel $0xFFFF  }
0xc2: {  	[dreg:$0x0] =	wrdreg $0xFFFFFFFF;
	(pc) =	sbr.abs _section_cstart, $3  }
0xc3: {  	[dreg:$0x1] =	wrdreg $0xFFFFFFFF  }
0xc4: {  	_ =	task.clear_ibuf [dreg:s7], $0x2FFFF;
	_ =	strace $0x9FFFFFFF  }
0xc5: {  	(tm) =	ssettm $0x7FFFFFFF  }
tec
execute0_lowered:
.L_overlay_start_1:
0x0: {  	(tag) =	ssettag $0x1  }
0x1: {  	s0 =	rddreg [dreg:$0x0]  }
0x2: {  	s1 =	rddreg [dreg:$0x1]  }
0x3: {  	s2 =	rddreg [dreg:$0x2]  }
0x4: {  	s3 =	rddreg [dreg:$0x3]  }
0x5: {  	s4 =	rddreg [dreg:$0x4];
	s17 =	stileid.u32  }
0x6: {  	s7 =	srdreg.scid;
	s5 =	simm.s32 $0x0;
	s28 =	simm.s32 $0x2  }
0x7: {  	s31 =	simm.s32 $0x0;
	s6 =	smul.u32 $0xA00, s17;
	s7 =	sand.u32 $0x1, s7  }
0x8: {  	s8 =	smul.u32 $0x280, s17;
	[smem:$0x7FF] =	sst s5;
	s10 =	sadd.s32 $0x1800, s0  }
0x9: {  	s21 =	sadd.s32 $0x16200, s0;
	s22 =	sadd.s32 $0x16600, s0;
	s14 =	smul.u32 $0xA000, s17  }
0xa: {  	s24 =	smul.u32 $0x5000, s17;
	_ =	strace $0x80000047;
	[dreg:$0x6] =	wrdreg s10  }
0xb: {  	s30 =	sshll.u32 s17, $0x6;
	s9 =	smul.u32 $0x2800, s7;
	[dreg:$0x7] =	wrdreg s21  }
0xc: {  	[dreg:$0x8] =	wrdreg s22;
	s23 =	ssub.s32 $0x2, s7;
	s17 =	sor.u32 $0x1C03, s30  }
0xd: {  	s22 =	simm.s32 $0x80;
	p0 =	sne.s32 s7, $0x0;
	p1 =	seq.s32 s7, $0x0  }
0xe: {  	s6 =	sadd.s32 s6, s0;
	s13 =	sshrl.u32 s23, $0x1;
	s26 =	sshrl.u32 s14, $0x1  }
0xf: {  	s29 =	sshrl.u32 s24, $0x2;
	s24 =	simm.s32 $0xB000;
	s9 =	sadd.s32 s8, s9  }
0x10: {  	s15 =	ssub.s32 s23, s13;
	s25 =	sadd.s32 $0xC200, s6;
	s10 =	sadd.s32 $0x2200, s6  }
0x11: {  	s16 =	sadd.s32 s26, s2;
	s6 =	sadd.s32 s26, s3;
	s23 =	simm.s32 $0xA000  }
0x12: {  	s26 =	simm.s32 $0x4;
	s11 =	sshll.u32 s9, $0x2;
	[dreg:$0x9] =	wrdreg s25  }
0x13: {  	s14 =	smax.u32 s15, $0x1;
	s15 =	simm.s32 $0x3;
	s18 =	sshrl.u32 s16, $0x3  }
0x14: {  	s19 =	sshrl.u32 s6, $0x3;
	s25 =	simm.s32 $0x1;
	s12 =	sadd.s32 s11, s0  }
0x15: {  	s0 =	sadd.s32 s9, s0;
	s11 =	sadd.s32 s1, s11;
	s1 =	sadd.s32 s29, s4  }
0x16: {  	s12 =	sadd.s32 $0x1B800, s12;
	s13 =	sadd.s32 $0x16800, s0;
	s20 =	sshrl.u32 s1, $0x3  }
.LBB2_1:
0x17: {  	s0 =	rddreg [dreg:$0x9]  }
0x18: {  	[tilespmem:s5], [sflag:$0x3] =	stream.linear.gather [hbm4b:s0+s5], $0x5000, $0x38;
	[tilespmem:$0x17800] =	vst v63  }
0x19: {  	_ =	swait.ge [sflag:s15], $0x5000  }
0x1a: {  	[sflag:s15] =	ssyncset.done $0x0  }
0x1b: {  	s6 =	simm.s32 $0x5000;
	[sflag:s15] =	ssyncadd.s32 $0xFFFFB000  }
0x1c: {  	[tilespmem:s6], [sflag:$0x3] =	stream.linear.gather [hbm4b:s10+s5], $0x5000, $0x38;
	[tilespmem:$0x17800] =	vst v63  }
0x1d: {  	_ =	swait.ge [sflag:s15], $0x5000  }
0x1e: {  	[sflag:s15] =	ssyncset.done $0x0  }
0x1f: {  	[sflag:s15] =	ssyncadd.s32 $0xFFFFB000  }
0x20: {  	[spmem:s18], [sflag:s17] =	dma.local [hbm:s11], $0xA00  }
0x21: {  	_ =	swait.ge [sflag:s15], $0xA00  }
0x22: {  	[sflag:s15] =	ssyncset.done $0x0  }
0x23: {  	s7 =	rddreg [dreg:$0x6];
	[sflag:s15] =	ssyncadd.s32 $0xFFFFF600  }
0x24: {  	[spmem:s19], [sflag:s17] =	dma.local [hbm:s7], $0xA00  }
0x25: {  	_ =	swait.ge [sflag:s15], $0xA00  }
0x26: {  	[sflag:s15] =	ssyncset.done $0x0  }
0x27: {  	s8 =	rddreg [dreg:$0x7];
	[sflag:s15] =	ssyncadd.s32 $0xFFFFF600  }
0x28: {  	[spmem:s20], [sflag:s17] =	dma.local [hbm:s8], $0x280  }
0x29: {  	_ =	swait.ge [sflag:s15], $0x280  }
0x2a: {  	[sflag:s15] =	ssyncset.done $0x0  }
0x2b: {  	s1 =	simm.s32 $0xC000;
	s9 =	rddreg [dreg:$0x8];
	[sflag:s15] =	ssyncadd.s32 $0xFFFFFD80  }
0x2c: {  	[tilespmem:s1], [sflag:$0x3] =	stream.linear.gather [hbm4b:s9+s5], $0x400, $0x38;
	[tilespmem:$0x17800] =	vst v63  }
0x2d: {  	_ =	swait.ge [sflag:s15], $0x400  }
0x2e: {  	[sflag:s15] =	ssyncset.done $0x0  }
0x2f: {  	[sflag:s15] =	ssyncadd.s32 $0xFFFFFC00  }
0x30: {  	[bflag:$0x0] =	sbarrier.arrive $0xFFFF  }
0x31: {  	[tilespmem:s23], [sflag:$0x1] =	stream.indirect.gather [spmem:s2], $0x20, s5, s22, $0xb8;
	[tilespmem:$0x17800] =	vst v63  }
0x32: {  	s16 =	simm.s32 $0x80  }
0x33: {  	[tilespmem:s24], [sflag:$0x2] =	stream.indirect.gather [spmem:s2], $0x20, s16, s22, $0xb8;
	[tilespmem:$0x17800] =	vst v63  }
0x34: {  	_ =	swait.ge [sflag:s25], $0x1000  }
0x35: {  	[sflag:s25] =	ssyncset.done $0x0  }
0x36: {  	s6 =	simm.s32 $0x5000;
	[sflag:s25] =	ssyncadd.s32 $0xFFFFF000  }
0x37: {  	[spmem:s3] =	stream.indirect.scatter.add.bf16 [tilespmem:s23], [sflag:$0x4], $0x20, s6, s22, $0xb8;
	[tilespmem:$0x17800] =	vst v63  }
0x38: {  	_ =	swait.ge [sflag:s26], $0x1000  }
0x39: {  	s0 =	simm.s32 @!p0 $0x4;
	[sflag:s26] =	ssyncset.done $0x0  }
0x3a: {  	s1 =	simm.s32 @!p0 $0x80;
	s16 =	simm.s32 @!p0 $0xC000;
	[sflag:s26] =	ssyncadd.s32 $0xFFFFF000  }
0x3b: {  	[spmem:s4] =	stream.indirect.scatter.add.f32 @!p0 [tilespmem:s16], [sflag:$0x4], $0x8, s6, s1, $0xb8;
	[tilespmem:$0x17800] =	vst v63  }
0x3c: {  	_ =	swait.ge @!p0 [sflag:s0], $0x400  }
0x3d: {  	[sflag:s0] =	ssyncset.done @!p0 $0x0  }
0x3e: {  	s21 =	simm.s32 $0x100;
	[sflag:s0] =	ssyncadd.s32 @!p0 $0xFFFFFC00  }
0x3f: {  	[tilespmem:s23], [sflag:$0x1] =	stream.indirect.gather [spmem:s2], $0x20, s21, s22, $0xb8;
	[tilespmem:$0x17800] =	vst v63  }
0x40: {  	_ =	swait.ge [sflag:s28], $0x1000  }
0x41: {  	[sflag:s28] =	ssyncset.done $0x0  }
0x42: {  	s7 =	simm.s32 $0x5080;
	[sflag:s28] =	ssyncadd.s32 $0xFFFFF000  }
0x43: {  	[spmem:s3] =	stream.indirect.scatter.add.bf16 [tilespmem:s24], [sflag:$0x4], $0x20, s7, s22, $0xb8;
	[tilespmem:$0x17800] =	vst v63  }
0x44: {  	_ =	swait.ge [sflag:s26], $0x1000  }
0x45: {  	s29 =	simm.s32 @!p1 $0x3;
	[sflag:s26] =	ssyncset.done $0x0  }
0x46: {  	s30 =	simm.s32 @!p1 $0x80;
	s6 =	simm.s32 @!p1 $0xC000;
	[sflag:s26] =	ssyncadd.s32 $0xFFFFF000  }
0x47: {  	[spmem:s4] =	stream.indirect.scatter.add.f32 @!p1 [tilespmem:s6], [sflag:$0x3], $0x8, s7, s30, $0xb8;
	[tilespmem:$0x17800] =	vst v63  }
0x48: {  	_ =	swait.ge @!p1 [sflag:s29], $0x400  }
0x49: {  	s21 =	simm.s32 $0x100;
	s7 =	simm.s32 $0x800;
	[sflag:s29] =	ssyncset.done @!p1 $0x0  }
.LBB2_2:
0x4a: {  	s8 =	sadd.s32 $0x80, s21  }
0x4b: {  	[sflag:s29] =	ssyncadd.s32 @!p1 $0xFFFFFC00;
	s9 =	smov.u32 s7;
	s7 =	sadd.s32 $0x400, s7  }
0x4c: {  	[tilespmem:s24], [sflag:$0x2] =	stream.indirect.gather [spmem:s2], $0x20, s8, s22, $0xb8;
	[tilespmem:$0x17800] =	vst v63  }
0x4d: {  	p2 =	sne.s32 s7, $0x13C00;
	_ =	swait.ge [sflag:s25], $0x1000  }
0x4e: {  	[sflag:s25] =	ssyncset.done $0x0  }
0x4f: {  	s8 =	sadd.s32 $0x5000, s21;
	[sflag:s25] =	ssyncadd.s32 $0xFFFFF000  }
0x50: {  	[spmem:s3] =	stream.indirect.scatter.add.bf16 [tilespmem:s23], [sflag:$0x4], $0x20, s8, s22, $0xb8;
	[tilespmem:$0x17800] =	vst v63  }
0x51: {  	_ =	swait.ge [sflag:s26], $0x1000  }
0x52: {  	[sflag:s26] =	ssyncset.done $0x0  }
0x53: {  	[sflag:s26] =	ssyncadd.s32 $0xFFFFF000  }
0x54: {  	[spmem:s4] =	stream.indirect.scatter.add.f32 @!p0 [tilespmem:s16], [sflag:$0x4], $0x8, s8, s1, $0xb8;
	[tilespmem:$0x17800] =	vst v63  }
0x55: {  	_ =	swait.ge @!p0 [sflag:s0], $0x400  }
0x56: {  	[sflag:s0] =	ssyncset.done @!p0 $0x0  }
0x57: {  	s8 =	sadd.s32 $0x100, s21;
	[sflag:s0] =	ssyncadd.s32 @!p0 $0xFFFFFC00  }
0x58: {  	[tilespmem:s23], [sflag:$0x1] =	stream.indirect.gather [spmem:s2], $0x20, s8, s22, $0xb8;
	[tilespmem:$0x17800] =	vst v63  }
0x59: {  	_ =	swait.ge [sflag:s28], $0x1000  }
0x5a: {  	[sflag:s28] =	ssyncset.done $0x0  }
0x5b: {  	s8 =	sadd.s32 $0x5080, s21;
	[sflag:s28] =	ssyncadd.s32 $0xFFFFF000  }
0x5c: {  	[spmem:s3] =	stream.indirect.scatter.add.bf16 [tilespmem:s24], [sflag:$0x4], $0x20, s8, s22, $0xb8;
	[tilespmem:$0x17800] =	vst v63  }
0x5d: {  	_ =	swait.ge [sflag:s26], $0x1000  }
.Ltmp0:
0x5e: {  	[sflag:s26] =	ssyncset.done $0x0;
	(pc) =	sbr.rel @p2 .LBB2_2-.Ltmp0, $4  }
0x5f: {  	[sflag:s26] =	ssyncadd.s32 $0xFFFFF000  }
0x60: {  	[spmem:s4] =	stream.indirect.scatter.add.f32 @!p1 [tilespmem:s6], [sflag:$0x3], $0x8, s8, s30, $0xb8;
	[tilespmem:$0x17800] =	vst v63  }
0x61: {  	_ =	swait.ge @!p1 [sflag:s29], $0x400  }
0x62: {  	s21 =	sshra.s32 s9, $0x2;
	[sflag:s29] =	ssyncset.done @!p1 $0x0  }
0x63: {  	s0 =	sadd.s32 $0x80, s21;
	[sflag:s29] =	ssyncadd.s32 @!p1 $0xFFFFFC00  }
0x64: {  	[tilespmem:s24], [sflag:$0x2] =	stream.indirect.gather [spmem:s2], $0x20, s0, s22, $0xb8;
	[tilespmem:$0x17800] =	vst v63  }
0x65: {  	_ =	swait.ge [sflag:s25], $0x1000  }
0x66: {  	[sflag:s25] =	ssyncset.done $0x0  }
0x67: {  	s1 =	sadd.s32 $0x5000, s21;
	[sflag:s25] =	ssyncadd.s32 $0xFFFFF000  }
0x68: {  	[spmem:s3] =	stream.indirect.scatter.add.bf16 [tilespmem:s23], [sflag:$0x4], $0x20, s1, s22, $0xb8;
	[tilespmem:$0x17800] =	vst v63  }
0x69: {  	_ =	swait.ge [sflag:s26], $0x1000  }
0x6a: {  	s6 =	simm.s32 @!p0 $0x80;
	[sflag:s26] =	ssyncset.done $0x0  }
0x6b: {  	s7 =	simm.s32 @!p0 $0xC000;
	s0 =	simm.s32 @!p0 $0x4;
	[sflag:s26] =	ssyncadd.s32 $0xFFFFF000  }
0x6c: {  	[spmem:s4] =	stream.indirect.scatter.add.f32 @!p0 [tilespmem:s7], [sflag:$0x4], $0x8, s1, s6, $0xb8;
	[tilespmem:$0x17800] =	vst v63  }
0x6d: {  	_ =	swait.ge @!p0 [sflag:s0], $0x400  }
0x6e: {  	[sflag:s0] =	ssyncset.done @!p0 $0x0  }
0x6f: {  	s16 =	sadd.s32 $0x100, s21;
	[sflag:s0] =	ssyncadd.s32 @!p0 $0xFFFFFC00  }
0x70: {  	[tilespmem:s23], [sflag:$0x1] =	stream.indirect.gather [spmem:s2], $0x20, s16, s22, $0xb8;
	[tilespmem:$0x17800] =	vst v63  }
0x71: {  	_ =	swait.ge [sflag:s28], $0x1000  }
0x72: {  	[sflag:s28] =	ssyncset.done $0x0  }
0x73: {  	s1 =	sadd.s32 $0x5080, s21;
	[sflag:s28] =	ssyncadd.s32 $0xFFFFF000  }
0x74: {  	[spmem:s3] =	stream.indirect.scatter.add.bf16 [tilespmem:s24], [sflag:$0x4], $0x20, s1, s22, $0xb8;
	[tilespmem:$0x17800] =	vst v63  }
0x75: {  	_ =	swait.ge [sflag:s26], $0x1000  }
0x76: {  	s8 =	simm.s32 @!p1 $0x3;
	[sflag:s26] =	ssyncset.done $0x0  }
0x77: {  	s9 =	simm.s32 @!p1 $0x80;
	s16 =	simm.s32 @!p1 $0xC000;
	[sflag:s26] =	ssyncadd.s32 $0xFFFFF000  }
0x78: {  	[spmem:s4] =	stream.indirect.scatter.add.f32 @!p1 [tilespmem:s16], [sflag:$0x3], $0x8, s1, s9, $0xb8;
	[tilespmem:$0x17800] =	vst v63  }
0x79: {  	_ =	swait.ge @!p1 [sflag:s8], $0x400  }
0x7a: {  	[sflag:s8] =	ssyncset.done @!p1 $0x0  }
0x7b: {  	s29 =	simm.s32 $0x4F80;
	[sflag:s8] =	ssyncadd.s32 @!p1 $0xFFFFFC00  }
0x7c: {  	[tilespmem:s24], [sflag:$0x2] =	stream.indirect.gather [spmem:s2], $0x20, s29, s22, $0xb8;
	[tilespmem:$0x17800] =	vst v63  }
0x7d: {  	_ =	swait.ge [sflag:s25], $0x1000  }
0x7e: {  	[sflag:s25] =	ssyncset.done $0x0  }
0x7f: {  	s30 =	simm.s32 $0x9F00;
	[sflag:s25] =	ssyncadd.s32 $0xFFFFF000  }
0x80: {  	[spmem:s3] =	stream.indirect.scatter.add.bf16 [tilespmem:s23], [sflag:$0x4], $0x20, s30, s22, $0xb8;
	[tilespmem:$0x17800] =	vst v63  }
0x81: {  	_ =	swait.ge [sflag:s26], $0x1000  }
0x82: {  	[sflag:s26] =	ssyncset.done $0x0  }
0x83: {  	s1 =	simm.s32 @p0 $0x2;
	[sflag:s26] =	ssyncadd.s32 $0xFFFFF000  }
0x84: {  	_ =	swait.ge @p0 [sflag:s1], $0x1000  }
0x85: {  	s9 =	simm.s32 @p0 $0xB000;
	[sflag:s1] =	ssyncset.done @p0 $0x0  }
0x86: {  	s8 =	simm.s32 @p0 $0x9F80;
	[sflag:s1] =	ssyncadd.s32 @p0 $0xFFFFF000;
	s1 =	simm.s32 @p0 $0x80  }
0x87: {  	[spmem:s3] =	stream.indirect.scatter.add.bf16 @p0 [tilespmem:s9], [sflag:$0x4], $0x20, s8, s1, $0xb8;
	[tilespmem:$0x17800] =	vst v63  }
0x88: {  	s9 =	simm.s32 @p0 $0x4  }
0x89: {  	_ =	swait.ge @p0 [sflag:s9], $0x1000  }
0x8a: {  	[sflag:s9] =	ssyncset.done @p0 $0x0  }
0x8b: {  	[sflag:s9] =	ssyncadd.s32 @p0 $0xFFFFF000;
	s9 =	simm.s32 @p0 $0xC000  }
0x8c: {  	[spmem:s4] =	stream.indirect.scatter.add.f32 @p0 [tilespmem:s9], [sflag:$0x3], $0x8, s8, s1, $0xb8;
	[tilespmem:$0x17800] =	vst v63  }
0x8d: {  	s1 =	simm.s32 @p0 $0x3  }
0x8e: {  	_ =	swait.ge @p0 [sflag:s1], $0x400  }
0x8f: {  	[sflag:s1] =	ssyncset.done @p0 $0x0  }
0x90: {  	[sflag:s1] =	ssyncadd.s32 @p0 $0xFFFFFC00;
	s1 =	simm.s32 @!p0 $0x9F00  }
0x91: {  	[spmem:s4] =	stream.indirect.scatter.add.f32 @!p0 [tilespmem:s7], [sflag:$0x4], $0x8, s1, s6, $0xb8;
	[tilespmem:$0x17800] =	vst v63  }
0x92: {  	_ =	swait.ge @!p0 [sflag:s0], $0x400  }
0x93: {  	[sflag:s0] =	ssyncset.done @!p0 $0x0  }
0x94: {  	s1 =	simm.s32 @!p0 $0x2;
	[sflag:s0] =	ssyncadd.s32 @!p0 $0xFFFFFC00  }
0x95: {  	_ =	swait.ge @!p0 [sflag:s1], $0x1000  }
0x96: {  	[sflag:s1] =	ssyncset.done @!p0 $0x0  }
0x97: {  	s7 =	simm.s32 @!p0 $0xB000;
	[sflag:s1] =	ssyncadd.s32 @!p0 $0xFFFFF000;
	s1 =	simm.s32 @!p0 $0x9F80  }
0x98: {  	[spmem:s3] =	stream.indirect.scatter.add.bf16 @!p0 [tilespmem:s7], [sflag:$0x4], $0x20, s1, s6, $0xb8;
	[tilespmem:$0x17800] =	vst v63  }
0x99: {  	_ =	swait.ge @!p0 [sflag:s0], $0x1000  }
0x9a: {  	[sflag:s0] =	ssyncset.done @!p0 $0x0  }
0x9b: {  	[sflag:s0] =	ssyncadd.s32 @!p0 $0xFFFFF000  }
0x9c: {  	[bflag:$0x0] =	sbarrier.arrive $0xFFFF  }
0x9d: {  	[hbm:s12], [sflag:s17] =	dma.local [spmem:s19], $0xA00  }
0x9e: {  	s31 =	sadd.s32 $0x1, s31;
	_ =	swait.ge [sflag:s15], $0xA00  }
0x9f: {  	p2 =	sne.s32 s31, s14;
	[sflag:s15] =	ssyncset.done $0x0  }
.Ltmp1:
0xa0: {  	[sflag:s15] =	ssyncadd.s32 $0xFFFFF600;
	(pc) =	sbr.rel @p2 .LBB2_1-.Ltmp1, $4  }
0xa1: {  	[hbm:s13], [sflag:s17] =	dma.local [spmem:s20], $0x280  }
0xa2: {  	_ =	swait.ge [sflag:s15], $0x280  }
0xa3: {  	[sflag:s15] =	ssyncset.done $0x0  }
0xa4: {  	[sflag:s15] =	ssyncadd.s32 $0xFFFFFD80  }
0xa5: {  	_ =	sfence.sel $0x180000  }
0xa6: {  	[bflag:$0x0] =	sbarrier.arrive $0xFFFF  }
0xa7: {  	_ =	strace $0x90000047  }
0xa8: {  	s0 =	stileid.u32;
	[bflag:$0x2] =	sbarrier.arrive $0xFFFF  }
0xa9: {  	p0 =	sne.s32 s0, $0x0;
	s0 =	rddreg [dreg:$0x5]  }
0xaa: {  	s0 =	sadd.s32 @!p0 $0x100000, s0  }
0xab: {  	[sflag:s0] =	ssyncadd.tile.s32 @!p0 $0x1;
	_ =	shalt  }
.Lfunc_end2:
_tile_overlayer_lowered:
.L_overlay_start_2:
0xac: {  	(tag) =	ssettag $0x2  }
0xad: {  	s0 =	rddreg [dreg:$0x0];
	s2 =	stileid.u32  }
0xae: {  	s1 =	rddreg [dreg:$0x1];
	p0 =	sne.s32 s2, $0x0  }
0xaf: {  	s3 =	rddreg [dreg:$0x2];
	[bflag:$0x3] =	sbarrier.arrive $0xFFFF;
	s2 =	simm.s32 @!p0 $0x1C03  }
0xb0: {  	[timem:s3], [sflag:s2] =	dma.local @!p0 [hbm:s0], s1  }
0xb1: {  	s0 =	simm.s32 @!p0 $0x3  }
0xb2: {  	_ =	swait.ge @!p0 [sflag:s0], s1  }
0xb3: {  	s1 =	ssub.s32 @!p0 $0x0, s1;
	[sflag:s0] =	ssyncset.done @!p0 $0x0  }
0xb4: {  	[sflag:s0] =	ssyncadd.s32 @!p0 s1  }
0xb5: {  	[bflag:$0x3] =	sbarrier.arrive $0xFFFF  }
0xb6: {  	_ =	shalt  }

</sc_bundles>
